<compile_context>
chip_gen: v7x
topology: tpu7x:2x2x1
jax: 0.10.2.dev20260603
libtpu: 0.0.44.dev20260713+nightly
codegen_flags: <defaults>
</compile_context>

<pallas_src>
import functools

import jax
import jax.numpy as jnp
from jax import lax
from jax.experimental import pallas as pl
from jax.experimental.pallas import tpu as pltpu
from jax.experimental.pallas import tpu_sc as plsc

_COL_START = 26
_COL_END = 126
_ROWS = 16384
_IN_COLS = 126
_OUT_COLS = _COL_END - _COL_START

_NUM_WORKERS = 32
_ROWS_PER_WORKER = _ROWS // _NUM_WORKERS

_mesh = plsc.VectorSubcoreMesh(core_axis_name="c", subcore_axis_name="s")

_LANES = 16
_N_FULL = _OUT_COLS // _LANES
_TAIL = _OUT_COLS - _N_FULL * _LANES
_CHUNK_ROWS = 256
_N_CHUNKS = _ROWS_PER_WORKER // _CHUNK_ROWS


@functools.partial(
    pl.kernel,
    mesh=_mesh,
    out_type=jax.ShapeDtypeStruct((_ROWS, _OUT_COLS), jnp.float32),
    scratch_types=[
        pltpu.VMEM((_CHUNK_ROWS, _IN_COLS), jnp.float32),
        pltpu.VMEM((_CHUNK_ROWS, _OUT_COLS), jnp.float32),
    ],
    compiler_params=pltpu.CompilerParams(needs_layout_passes=False),
)
def _sc_slice(in_hbm, out_hbm, band_in, band_out):
    wid = lax.axis_index("s") * 2 + lax.axis_index("c")
    base = wid * _ROWS_PER_WORKER

    lane = lax.iota(jnp.int32, _LANES)
    col_idx = [
        jnp.minimum(_COL_START + _LANES * j + lane, _IN_COLS - 1)
        for j in range(_N_FULL + 1)
    ]
    tail_out_col = jnp.minimum(_N_FULL * _LANES + lane, _OUT_COLS - 1)
    tail_mask = lane < _TAIL

    for chunk in range(_N_CHUNKS):
        cbase = base + chunk * _CHUNK_ROWS
        pltpu.sync_copy(in_hbm.at[pl.ds(cbase, _CHUNK_ROWS), :], band_in)

        @plsc.parallel_loop(0, _CHUNK_ROWS, 1, unroll=4)
        def body(r):
            row_idx = jnp.full((_LANES,), r, jnp.int32)
            for j in range(_N_FULL):
                v = plsc.load_gather(band_in, [row_idx, col_idx[j]])
                band_out[r, pl.ds(_LANES * j, _LANES)] = v
            v = plsc.load_gather(band_in, [row_idx, col_idx[_N_FULL]])
            plsc.store_scatter(
                band_out, [row_idx, tail_out_col], v, mask=tail_mask
            )

        pltpu.sync_copy(band_out, out_hbm.at[pl.ds(cbase, _CHUNK_ROWS), :])


_BLOCK_ROWS = 8192


def _tc_slice_body(in_ref, out_ref):
    out_ref[...] = in_ref[:, _COL_START:_COL_END]


@jax.jit
def _tc_slice(inputs):
    rows, cols = inputs.shape
    grid = (rows // _BLOCK_ROWS,)
    return pl.pallas_call(
        _tc_slice_body,
        grid=grid,
        in_specs=[pl.BlockSpec((_BLOCK_ROWS, cols), lambda i: (i, 0))],
        out_specs=pl.BlockSpec((_BLOCK_ROWS, _OUT_COLS), lambda i: (i, 0)),
        out_shape=jax.ShapeDtypeStruct((rows, _OUT_COLS), inputs.dtype),
    )(inputs)


@jax.jit
def kernel(inputs):
    return _sc_slice(inputs)

# --- scband reference (transcript-rebuilt; emitter-appended) ---
"""Pipeline reference for scband-categorical-extraction-3547642986874 (READ-ONLY COPY).

The authoritative reference and input builder live on the scoring server;
editing this copy changes nothing except your own understanding.
"""

import jax, jax.numpy as jnp
import numpy as np

CATEGORICAL_IDX = jnp.array(list(range(26, 126)), dtype=jnp.int32)


def setup_inputs(seed: int = 0) -> dict:
    key = jax.random.key(seed)
    inputs = jax.random.normal(key, (16384, 126), dtype=jnp.float32)
    return {"inputs": inputs}


def reference(inputs):
    # ops.take(inputs, indices=categorical_idx, axis=1)
    categorical_features = jnp.take(inputs, CATEGORICAL_IDX, axis=1)
    return categorical_features

if __name__ == "__main__":
    import jax
    _d = setup_inputs()
    print(jax.jit(kernel)(*tuple(_d.values())))

</pallas_src>

<mosaic_0001>
#map = affine_map<(d0, d1) -> (0, 0)>
module attributes {stable_mosaic.version = 14 : i64} {
  func.func @_sc_slice(%arg0: i32, %arg1: i32, %arg2: memref<16384x126xf32, #tpu.memory_space<hbm>>, %arg3: memref<16384x100xf32, #tpu.memory_space<hbm>>, %arg4: memref<256x126xf32, #tpu.memory_space<vmem>>, %arg5: memref<256x100xf32, #tpu.memory_space<vmem>>) attributes {dimension_semantics = [#tpu.dimension_semantics<core_parallel>, #tpu.dimension_semantics<subcore_parallel>], iteration_bounds = array<i64: 2, 16>, scalar_prefetch = 0 : i64, scratch_operands = 2 : i64, tpu.core_type = #tpu.core_type<sc_vector_subcore>, window_params = [{transform_indices = #map}, {transform_indices = #map}]} {
    %mul3A = arith.constant 2 : i32
    %mul3A_0 = arith.muli %arg1, %mul3A : i32
    %add3A = arith.addi %mul3A_0, %arg0 : i32
    %mul3A_1 = arith.constant 512 : i32
    %mul3A_2 = arith.muli %add3A, %mul3A_1 : i32
    %iota3A = tpu.iota {dimensions = array<i32: 0>} : vector<16xi32>
    %add3A_3 = arith.constant 26 : i32
    %add3A_4 = vector.broadcast %add3A_3 : i32 to vector<16xi32>
    %add3A_5 = arith.addi %add3A_4, %iota3A : vector<16xi32>
    %min3A = arith.constant 125 : i32
    %min3A_6 = vector.broadcast %min3A : i32 to vector<16xi32>
    %min3A_7 = arith.minsi %add3A_5, %min3A_6 : vector<16xi32>
    %add3A_8 = arith.constant 42 : i32
    %add3A_9 = vector.broadcast %add3A_8 : i32 to vector<16xi32>
    %add3A_10 = arith.addi %add3A_9, %iota3A : vector<16xi32>
    %min3A_11 = arith.constant 125 : i32
    %min3A_12 = vector.broadcast %min3A_11 : i32 to vector<16xi32>
    %min3A_13 = arith.minsi %add3A_10, %min3A_12 : vector<16xi32>
    %add3A_14 = arith.constant 58 : i32
    %add3A_15 = vector.broadcast %add3A_14 : i32 to vector<16xi32>
    %add3A_16 = arith.addi %add3A_15, %iota3A : vector<16xi32>
    %min3A_17 = arith.constant 125 : i32
    %min3A_18 = vector.broadcast %min3A_17 : i32 to vector<16xi32>
    %min3A_19 = arith.minsi %add3A_16, %min3A_18 : vector<16xi32>
    %add3A_20 = arith.constant 74 : i32
    %add3A_21 = vector.broadcast %add3A_20 : i32 to vector<16xi32>
    %add3A_22 = arith.addi %add3A_21, %iota3A : vector<16xi32>
    %min3A_23 = arith.constant 125 : i32
    %min3A_24 = vector.broadcast %min3A_23 : i32 to vector<16xi32>
    %min3A_25 = arith.minsi %add3A_22, %min3A_24 : vector<16xi32>
    %add3A_26 = arith.constant 90 : i32
    %add3A_27 = vector.broadcast %add3A_26 : i32 to vector<16xi32>
    %add3A_28 = arith.addi %add3A_27, %iota3A : vector<16xi32>
    %min3A_29 = arith.constant 125 : i32
    %min3A_30 = vector.broadcast %min3A_29 : i32 to vector<16xi32>
    %min3A_31 = arith.minsi %add3A_28, %min3A_30 : vector<16xi32>
    %add3A_32 = arith.constant 106 : i32
    %add3A_33 = vector.broadcast %add3A_32 : i32 to vector<16xi32>
    %add3A_34 = arith.addi %add3A_33, %iota3A : vector<16xi32>
    %min3A_35 = arith.constant 125 : i32
    %min3A_36 = vector.broadcast %min3A_35 : i32 to vector<16xi32>
    %min3A_37 = arith.minsi %add3A_34, %min3A_36 : vector<16xi32>
    %add3A_38 = arith.constant 122 : i32
    %add3A_39 = vector.broadcast %add3A_38 : i32 to vector<16xi32>
    %add3A_40 = arith.addi %add3A_39, %iota3A : vector<16xi32>
    %min3A_41 = arith.constant 125 : i32
    %min3A_42 = vector.broadcast %min3A_41 : i32 to vector<16xi32>
    %min3A_43 = arith.minsi %add3A_40, %min3A_42 : vector<16xi32>
    %add3A_44 = arith.constant 96 : i32
    %add3A_45 = vector.broadcast %add3A_44 : i32 to vector<16xi32>
    %add3A_46 = arith.addi %add3A_45, %iota3A : vector<16xi32>
    %min3A_47 = arith.constant 99 : i32
    %min3A_48 = vector.broadcast %min3A_47 : i32 to vector<16xi32>
    %min3A_49 = arith.minsi %add3A_46, %min3A_48 : vector<16xi32>
    %lt3A = arith.constant 4 : i32
    %lt3A_50 = vector.broadcast %lt3A : i32 to vector<16xi32>
    %lt3A_51 = arith.cmpi slt, %iota3A, %lt3A_50 : vector<16xi32>
    %add3A_52 = arith.constant 0 : i32
    %add3A_53 = arith.addi %mul3A_2, %add3A_52 : i32
    "tpu.region"() ({
      %run_scoped3A = tpu.sem_alloc : memref<!tpu.dma_semaphore, #tpu.memory_space<semaphore_mem>>
      %dma_start3A = arith.constant 0 : i32
      %dma_start3A_61 = tpu.memref_slice %arg2[%add3A_53, %dma_start3A] : memref<16384x126xf32, #tpu.memory_space<hbm>> -> memref<256x126xf32, #tpu.memory_space<hbm>>
      %dma_start3A_62 = arith.constant 0 : i32
      %dma_start3A_63 = tpu.memref_slice %arg2[%add3A_53, %dma_start3A_62] : memref<16384x126xf32, #tpu.memory_space<hbm>> -> memref<256x126xf32, #tpu.memory_space<hbm>>
      tpu.enqueue_dma source(%dma_start3A_63 : memref<256x126xf32, #tpu.memory_space<hbm>>) target(%arg4 : memref<256x126xf32, #tpu.memory_space<vmem>>) target_semaphore(%run_scoped3A : memref<!tpu.dma_semaphore, #tpu.memory_space<semaphore_mem>>)
      %dma_wait3A = arith.constant 0 : i32
      %dma_wait3A_64 = tpu.memref_slice %arg2[%add3A_53, %dma_wait3A] : memref<16384x126xf32, #tpu.memory_space<hbm>> -> memref<256x126xf32, #tpu.memory_space<hbm>>
      %dma_wait3A_65 = arith.constant 0 : i32
      %dma_wait3A_66 = tpu.memref_slice %arg2[%add3A_53, %dma_wait3A_65] : memref<16384x126xf32, #tpu.memory_space<hbm>> -> memref<256x126xf32, #tpu.memory_space<hbm>>
      tpu.wait_dma2 semaphore(%run_scoped3A : memref<!tpu.dma_semaphore, #tpu.memory_space<semaphore_mem>>) src(%dma_wait3A_66 : memref<256x126xf32, #tpu.memory_space<hbm>>) dst(%arg4 : memref<256x126xf32, #tpu.memory_space<vmem>>)
      tpu.yield
    }) : () -> ()
    %parallel_loop3A = arith.constant 0 : i32
    %parallel_loop3A_54 = arith.constant 256 : i32
    %parallel_loop3A_55 = arith.constant 1 : i32
    scf.for %parallel_loop3A_61 = %parallel_loop3A to %parallel_loop3A_54 step %parallel_loop3A_55  : i32 {
      %parallel_loop3A_62 = vector.broadcast %parallel_loop3A_61 : i32 to vector<16xi32>
      %parallel_loop3A_63 = tpu.vector_load_idx %arg4[%parallel_loop3A_62, %min3A_7] : memref<256x126xf32, #tpu.memory_space<vmem>>[vector<16xi32>, vector<16xi32>], vector<16xf32>,
      %parallel_loop3A_64 = arith.index_cast %parallel_loop3A_61 : i32 to index
      %parallel_loop3A_65 = arith.constant 0 : index
      %parallel_loop3A_66 = tpu.vector_load %arg5[%parallel_loop3A_64, %parallel_loop3A_65] {strides = array<i32>} : memref<256x100xf32, #tpu.memory_space<vmem>>, vector<16xf32>,
      tpu.vector_store %arg5[%parallel_loop3A_64, %parallel_loop3A_65], %parallel_loop3A_63 {strides = array<i32>} : memref<256x100xf32, #tpu.memory_space<vmem>>, vector<16xf32>,
      %parallel_loop3A_67 = tpu.vector_load_idx %arg4[%parallel_loop3A_62, %min3A_13] : memref<256x126xf32, #tpu.memory_space<vmem>>[vector<16xi32>, vector<16xi32>], vector<16xf32>,
      %parallel_loop3A_68 = arith.index_cast %parallel_loop3A_61 : i32 to index
      %parallel_loop3A_69 = arith.constant 16 : index
      %parallel_loop3A_70 = tpu.vector_load %arg5[%parallel_loop3A_68, %parallel_loop3A_69] {strides = array<i32>} : memref<256x100xf32, #tpu.memory_space<vmem>>, vector<16xf32>,
      tpu.vector_store %arg5[%parallel_loop3A_68, %parallel_loop3A_69], %parallel_loop3A_67 {strides = array<i32>} : memref<256x100xf32, #tpu.memory_space<vmem>>, vector<16xf32>,
      %parallel_loop3A_71 = tpu.vector_load_idx %arg4[%parallel_loop3A_62, %min3A_19] : memref<256x126xf32, #tpu.memory_space<vmem>>[vector<16xi32>, vector<16xi32>], vector<16xf32>,
      %parallel_loop3A_72 = arith.index_cast %parallel_loop3A_61 : i32 to index
      %parallel_loop3A_73 = arith.constant 32 : index
      %parallel_loop3A_74 = tpu.vector_load %arg5[%parallel_loop3A_72, %parallel_loop3A_73] {strides = array<i32>} : memref<256x100xf32, #tpu.memory_space<vmem>>, vector<16xf32>,
      tpu.vector_store %arg5[%parallel_loop3A_72, %parallel_loop3A_73], %parallel_loop3A_71 {strides = array<i32>} : memref<256x100xf32, #tpu.memory_space<vmem>>, vector<16xf32>,
      %parallel_loop3A_75 = tpu.vector_load_idx %arg4[%parallel_loop3A_62, %min3A_25] : memref<256x126xf32, #tpu.memory_space<vmem>>[vector<16xi32>, vector<16xi32>], vector<16xf32>,
      %parallel_loop3A_76 = arith.index_cast %parallel_loop3A_61 : i32 to index
      %parallel_loop3A_77 = arith.constant 48 : index
      %parallel_loop3A_78 = tpu.vector_load %arg5[%parallel_loop3A_76, %parallel_loop3A_77] {strides = array<i32>} : memref<256x100xf32, #tpu.memory_space<vmem>>, vector<16xf32>,
      tpu.vector_store %arg5[%parallel_loop3A_76, %parallel_loop3A_77], %parallel_loop3A_75 {strides = array<i32>} : memref<256x100xf32, #tpu.memory_space<vmem>>, vector<16xf32>,
      %parallel_loop3A_79 = tpu.vector_load_idx %arg4[%parallel_loop3A_62, %min3A_31] : memref<256x126xf32, #tpu.memory_space<vmem>>[vector<16xi32>, vector<16xi32>], vector<16xf32>,
      %parallel_loop3A_80 = arith.index_cast %parallel_loop3A_61 : i32 to index
      %parallel_loop3A_81 = arith.constant 64 : index
      %parallel_loop3A_82 = tpu.vector_load %arg5[%parallel_loop3A_80, %parallel_loop3A_81] {strides = array<i32>} : memref<256x100xf32, #tpu.memory_space<vmem>>, vector<16xf32>,
      tpu.vector_store %arg5[%parallel_loop3A_80, %parallel_loop3A_81], %parallel_loop3A_79 {strides = array<i32>} : memref<256x100xf32, #tpu.memory_space<vmem>>, vector<16xf32>,
      %parallel_loop3A_83 = tpu.vector_load_idx %arg4[%parallel_loop3A_62, %min3A_37] : memref<256x126xf32, #tpu.memory_space<vmem>>[vector<16xi32>, vector<16xi32>], vector<16xf32>,
      %parallel_loop3A_84 = arith.index_cast %parallel_loop3A_61 : i32 to index
      %parallel_loop3A_85 = arith.constant 80 : index
      %parallel_loop3A_86 = tpu.vector_load %arg5[%parallel_loop3A_84, %parallel_loop3A_85] {strides = array<i32>} : memref<256x100xf32, #tpu.memory_space<vmem>>, vector<16xf32>,
      tpu.vector_store %arg5[%parallel_loop3A_84, %parallel_loop3A_85], %parallel_loop3A_83 {strides = array<i32>} : memref<256x100xf32, #tpu.memory_space<vmem>>, vector<16xf32>,
      %parallel_loop3A_87 = tpu.vector_load_idx %arg4[%parallel_loop3A_62, %min3A_43] : memref<256x126xf32, #tpu.memory_space<vmem>>[vector<16xi32>, vector<16xi32>], vector<16xf32>,
      tpu.vector_store_idx %arg5[%parallel_loop3A_62, %min3A_49], %parallel_loop3A_87 masked %lt3A_51 : memref<256x100xf32, #tpu.memory_space<vmem>>[vector<16xi32>, vector<16xi32>], vector<16xf32>, vector<16xi1>
    } {sc.loop_unroll_factor = 4 : i64, sc.parallel_access}
    "tpu.region"() ({
      %run_scoped3A = tpu.sem_alloc : memref<!tpu.dma_semaphore, #tpu.memory_space<semaphore_mem>>
      %dma_start3A = arith.constant 0 : i32
      %dma_start3A_61 = tpu.memref_slice %arg3[%add3A_53, %dma_start3A] : memref<16384x100xf32, #tpu.memory_space<hbm>> -> memref<256x100xf32, #tpu.memory_space<hbm>>
      %dma_start3A_62 = arith.constant 0 : i32
      %dma_start3A_63 = tpu.memref_slice %arg3[%add3A_53, %dma_start3A_62] : memref<16384x100xf32, #tpu.memory_space<hbm>> -> memref<256x100xf32, #tpu.memory_space<hbm>>
      tpu.enqueue_dma source(%arg5 : memref<256x100xf32, #tpu.memory_space<vmem>>) target(%dma_start3A_63 : memref<256x100xf32, #tpu.memory_space<hbm>>) target_semaphore(%run_scoped3A : memref<!tpu.dma_semaphore, #tpu.memory_space<semaphore_mem>>)
      %dma_wait3A = arith.constant 0 : i32
      %dma_wait3A_64 = tpu.memref_slice %arg3[%add3A_53, %dma_wait3A] : memref<16384x100xf32, #tpu.memory_space<hbm>> -> memref<256x100xf32, #tpu.memory_space<hbm>>
      %dma_wait3A_65 = arith.constant 0 : i32
      %dma_wait3A_66 = tpu.memref_slice %arg3[%add3A_53, %dma_wait3A_65] : memref<16384x100xf32, #tpu.memory_space<hbm>> -> memref<256x100xf32, #tpu.memory_space<hbm>>
      tpu.wait_dma2 semaphore(%run_scoped3A : memref<!tpu.dma_semaphore, #tpu.memory_space<semaphore_mem>>) src(%arg5 : memref<256x100xf32, #tpu.memory_space<vmem>>) dst(%dma_wait3A_66 : memref<256x100xf32, #tpu.memory_space<hbm>>)
      tpu.yield
    }) : () -> ()
    %add3A_56 = arith.constant 256 : i32
    %add3A_57 = arith.addi %mul3A_2, %add3A_56 : i32
    "tpu.region"() ({
      %run_scoped3A = tpu.sem_alloc : memref<!tpu.dma_semaphore, #tpu.memory_space<semaphore_mem>>
      %dma_start3A = arith.constant 0 : i32
      %dma_start3A_61 = tpu.memref_slice %arg2[%add3A_57, %dma_start3A] : memref<16384x126xf32, #tpu.memory_space<hbm>> -> memref<256x126xf32, #tpu.memory_space<hbm>>
      %dma_start3A_62 = arith.constant 0 : i32
      %dma_start3A_63 = tpu.memref_slice %arg2[%add3A_57, %dma_start3A_62] : memref<16384x126xf32, #tpu.memory_space<hbm>> -> memref<256x126xf32, #tpu.memory_space<hbm>>
      tpu.enqueue_dma source(%dma_start3A_63 : memref<256x126xf32, #tpu.memory_space<hbm>>) target(%arg4 : memref<256x126xf32, #tpu.memory_space<vmem>>) target_semaphore(%run_scoped3A : memref<!tpu.dma_semaphore, #tpu.memory_space<semaphore_mem>>)
      %dma_wait3A = arith.constant 0 : i32
      %dma_wait3A_64 = tpu.memref_slice %arg2[%add3A_57, %dma_wait3A] : memref<16384x126xf32, #tpu.memory_space<hbm>> -> memref<256x126xf32, #tpu.memory_space<hbm>>
      %dma_wait3A_65 = arith.constant 0 : i32
      %dma_wait3A_66 = tpu.memref_slice %arg2[%add3A_57, %dma_wait3A_65] : memref<16384x126xf32, #tpu.memory_space<hbm>> -> memref<256x126xf32, #tpu.memory_space<hbm>>
      tpu.wait_dma2 semaphore(%run_scoped3A : memref<!tpu.dma_semaphore, #tpu.memory_space<semaphore_mem>>) src(%dma_wait3A_66 : memref<256x126xf32, #tpu.memory_space<hbm>>) dst(%arg4 : memref<256x126xf32, #tpu.memory_space<vmem>>)
      tpu.yield
    }) : () -> ()
    %parallel_loop3A_58 = arith.constant 0 : i32
    %parallel_loop3A_59 = arith.constant 256 : i32
    %parallel_loop3A_60 = arith.constant 1 : i32
    scf.for %parallel_loop3A_61 = %parallel_loop3A_58 to %parallel_loop3A_59 step %parallel_loop3A_60  : i32 {
      %parallel_loop3A_62 = vector.broadcast %parallel_loop3A_61 : i32 to vector<16xi32>
      %parallel_loop3A_63 = tpu.vector_load_idx %arg4[%parallel_loop3A_62, %min3A_7] : memref<256x126xf32, #tpu.memory_space<vmem>>[vector<16xi32>, vector<16xi32>], vector<16xf32>,
      %parallel_loop3A_64 = arith.index_cast %parallel_loop3A_61 : i32 to index
      %parallel_loop3A_65 = arith.constant 0 : index
      %parallel_loop3A_66 = tpu.vector_load %arg5[%parallel_loop3A_64, %parallel_loop3A_65] {strides = array<i32>} : memref<256x100xf32, #tpu.memory_space<vmem>>, vector<16xf32>,
      tpu.vector_store %arg5[%parallel_loop3A_64, %parallel_loop3A_65], %parallel_loop3A_63 {strides = array<i32>} : memref<256x100xf32, #tpu.memory_space<vmem>>, vector<16xf32>,
      %parallel_loop3A_67 = tpu.vector_load_idx %arg4[%parallel_loop3A_62, %min3A_13] : memref<256x126xf32, #tpu.memory_space<vmem>>[vector<16xi32>, vector<16xi32>], vector<16xf32>,
      %parallel_loop3A_68 = arith.index_cast %parallel_loop3A_61 : i32 to index
      %parallel_loop3A_69 = arith.constant 16 : index
      %parallel_loop3A_70 = tpu.vector_load %arg5[%parallel_loop3A_68, %parallel_loop3A_69] {strides = array<i32>} : memref<256x100xf32, #tpu.memory_space<vmem>>, vector<16xf32>,
      tpu.vector_store %arg5[%parallel_loop3A_68, %parallel_loop3A_69], %parallel_loop3A_67 {strides = array<i32>} : memref<256x100xf32, #tpu.memory_space<vmem>>, vector<16xf32>,
      %parallel_loop3A_71 = tpu.vector_load_idx %arg4[%parallel_loop3A_62, %min3A_19] : memref<256x126xf32, #tpu.memory_space<vmem>>[vector<16xi32>, vector<16xi32>], vector<16xf32>,
      %parallel_loop3A_72 = arith.index_cast %parallel_loop3A_61 : i32 to index
      %parallel_loop3A_73 = arith.constant 32 : index
      %parallel_loop3A_74 = tpu.vector_load %arg5[%parallel_loop3A_72, %parallel_loop3A_73] {strides = array<i32>} : memref<256x100xf32, #tpu.memory_space<vmem>>, vector<16xf32>,
      tpu.vector_store %arg5[%parallel_loop3A_72, %parallel_loop3A_73], %parallel_loop3A_71 {strides = array<i32>} : memref<256x100xf32, #tpu.memory_space<vmem>>, vector<16xf32>,
      %parallel_loop3A_75 = tpu.vector_load_idx %arg4[%parallel_loop3A_62, %min3A_25] : memref<256x126xf32, #tpu.memory_space<vmem>>[vector<16xi32>, vector<16xi32>], vector<16xf32>,
      %parallel_loop3A_76 = arith.index_cast %parallel_loop3A_61 : i32 to index
      %parallel_loop3A_77 = arith.constant 48 : index
      %parallel_loop3A_78 = tpu.vector_load %arg5[%parallel_loop3A_76, %parallel_loop3A_77] {strides = array<i32>} : memref<256x100xf32, #tpu.memory_space<vmem>>, vector<16xf32>,
      tpu.vector_store %arg5[%parallel_loop3A_76, %parallel_loop3A_77], %parallel_loop3A_75 {strides = array<i32>} : memref<256x100xf32, #tpu.memory_space<vmem>>, vector<16xf32>,
      %parallel_loop3A_79 = tpu.vector_load_idx %arg4[%parallel_loop3A_62, %min3A_31] : memref<256x126xf32, #tpu.memory_space<vmem>>[vector<16xi32>, vector<16xi32>], vector<16xf32>,
      %parallel_loop3A_80 = arith.index_cast %parallel_loop3A_61 : i32 to index
      %parallel_loop3A_81 = arith.constant 64 : index
      %parallel_loop3A_82 = tpu.vector_load %arg5[%parallel_loop3A_80, %parallel_loop3A_81] {strides = array<i32>} : memref<256x100xf32, #tpu.memory_space<vmem>>, vector<16xf32>,
      tpu.vector_store %arg5[%parallel_loop3A_80, %parallel_loop3A_81], %parallel_loop3A_79 {strides = array<i32>} : memref<256x100xf32, #tpu.memory_space<vmem>>, vector<16xf32>,
      %parallel_loop3A_83 = tpu.vector_load_idx %arg4[%parallel_loop3A_62, %min3A_37] : memref<256x126xf32, #tpu.memory_space<vmem>>[vector<16xi32>, vector<16xi32>], vector<16xf32>,
      %parallel_loop3A_84 = arith.index_cast %parallel_loop3A_61 : i32 to index
      %parallel_loop3A_85 = arith.constant 80 : index
      %parallel_loop3A_86 = tpu.vector_load %arg5[%parallel_loop3A_84, %parallel_loop3A_85] {strides = array<i32>} : memref<256x100xf32, #tpu.memory_space<vmem>>, vector<16xf32>,
      tpu.vector_store %arg5[%parallel_loop3A_84, %parallel_loop3A_85], %parallel_loop3A_83 {strides = array<i32>} : memref<256x100xf32, #tpu.memory_space<vmem>>, vector<16xf32>,
      %parallel_loop3A_87 = tpu.vector_load_idx %arg4[%parallel_loop3A_62, %min3A_43] : memref<256x126xf32, #tpu.memory_space<vmem>>[vector<16xi32>, vector<16xi32>], vector<16xf32>,
      tpu.vector_store_idx %arg5[%parallel_loop3A_62, %min3A_49], %parallel_loop3A_87 masked %lt3A_51 : memref<256x100xf32, #tpu.memory_space<vmem>>[vector<16xi32>, vector<16xi32>], vector<16xf32>, vector<16xi1>
    } {sc.loop_unroll_factor = 4 : i64, sc.parallel_access}
    "tpu.region"() ({
      %run_scoped3A = tpu.sem_alloc : memref<!tpu.dma_semaphore, #tpu.memory_space<semaphore_mem>>
      %dma_start3A = arith.constant 0 : i32
      %dma_start3A_61 = tpu.memref_slice %arg3[%add3A_57, %dma_start3A] : memref<16384x100xf32, #tpu.memory_space<hbm>> -> memref<256x100xf32, #tpu.memory_space<hbm>>
      %dma_start3A_62 = arith.constant 0 : i32
      %dma_start3A_63 = tpu.memref_slice %arg3[%add3A_57, %dma_start3A_62] : memref<16384x100xf32, #tpu.memory_space<hbm>> -> memref<256x100xf32, #tpu.memory_space<hbm>>
      tpu.enqueue_dma source(%arg5 : memref<256x100xf32, #tpu.memory_space<vmem>>) target(%dma_start3A_63 : memref<256x100xf32, #tpu.memory_space<hbm>>) target_semaphore(%run_scoped3A : memref<!tpu.dma_semaphore, #tpu.memory_space<semaphore_mem>>)
      %dma_wait3A = arith.constant 0 : i32
      %dma_wait3A_64 = tpu.memref_slice %arg3[%add3A_57, %dma_wait3A] : memref<16384x100xf32, #tpu.memory_space<hbm>> -> memref<256x100xf32, #tpu.memory_space<hbm>>
      %dma_wait3A_65 = arith.constant 0 : i32
      %dma_wait3A_66 = tpu.memref_slice %arg3[%add3A_57, %dma_wait3A_65] : memref<16384x100xf32, #tpu.memory_space<hbm>> -> memref<256x100xf32, #tpu.memory_space<hbm>>
      tpu.wait_dma2 semaphore(%run_scoped3A : memref<!tpu.dma_semaphore, #tpu.memory_space<semaphore_mem>>) src(%arg5 : memref<256x100xf32, #tpu.memory_space<vmem>>) dst(%dma_wait3A_66 : memref<256x100xf32, #tpu.memory_space<hbm>>)
      tpu.yield
    }) : () -> ()
    return
  }
}

</mosaic_0001>

<sc_bundles>
// kernel: kernel.3.cloned.1.call-start
scs
__scs_entry_jumppad:
0x0: {  	(pc) =	sbr.rel $0x88, $3  }
0x1: {  	(tag) =	ssettag $0x0;
	lr =	simm.s32 $0x1  }
0x2: {  	[smem:$0x3FA0] =	sst lr;
	_ =	strace $0xD0000000  }
0x3: {  	_ = 	snop  }
0x4: {  	_ = 	snop  }
0x5: {  	_ = 	snop  }
0x6: {  	_ = 	snop  }
0x7: {  	_ = 	snop  }
__scs_overlays_trampoline_lowered:
0x8: {  	[smem:$0x3FAF] =	sst s0  }
0x9: {  	[smem:$0x3FB0] =	sst s1  }
0xa: {  	[smem:$0x3FB1] =	sst s2  }
0xb: {  	[smem:$0x3FB2] =	sst s3  }
0xc: {  	[smem:$0x3FB3] =	sst s4  }
0xd: {  	[smem:$0x3FB4] =	sst s5  }
0xe: {  	[smem:$0x3FB5] =	sst s6  }
0xf: {  	[smem:$0x3FB6] =	sst s7  }
0x10: {  	[smem:$0x3FB7] =	sst s8  }
0x11: {  	[smem:$0x3FB8] =	sst s9;
	s0 =	simm.s32 @!p0 $0x0  }
0x12: {  	s1 =	sld [smem:$0x3F9E];
	s0 =	simm.s32 @p0 $0x1  }
0x13: {  	[smem:$0x3FB9] =	sst s0;
	s0 =	simm.s32 @!p1 $0x0  }
0x14: {  	s2 =	sld [smem:$0x3F9D];
	s0 =	simm.s32 @p1 $0x1  }
0x15: {  	[smem:$0x3FBA] =	sst s0;
	s0 =	simm.s32 @!p2 $0x0  }
0x16: {  	s3 =	sld [smem:$0x3FDB];
	s0 =	simm.s32 @p2 $0x1  }
0x17: {  	s4 =	simm.s32 $0x1BF5;
	[smem:$0x3FBC] =	sst s0  }
0x18: {  	s0 =	sld [smem:$0x3F9F];
	_ =	swait.ge [sflag:s4], $0x0  }
0x19: {  	s7 =	sld [smem:$0x3FA0]  }
0x1a: {  	s8 =	sadd.s32 $0xFFFFE003, lr  }
0x1b: {  	s9 =	sadd.s32 $0xFFFFFEF7, lr;
	s5 =	simm.s32 $0xFFFFFFFF;
	p2 =	slt.u32 s8, $0xFFFFF086  }
0x1c: {  	p1 =	slt.u32 s9, $0xF7A;
	s5 =	simm.s32 @!p2 $0x0  }
0x1d: {  	s5 =	simm.s32 @p1 $0x1;
	p0 =	seq.s32 s7, s2  }
0x1e: {  	s7 =	smul.u32 @!p0 $0xF7A, s2;
	p2 =	seq.s32 @!p0 s5, $0x0  }
0x1f: {  	s9 =	smul.u32 $0xF7A, s1;
	s8 =	simm.s32 @!p0 $0x1BF5;
	p2 =	por !p2, p0  }
0x20: {  	[sflag:s8] =	ssyncset.s32 @!p0 $0xFFFFF086;
	s6 =	sadd.s32 @!p0 s3, s7;
	s7 =	simm.s32 @!p0 $0x108  }
0x21: {  	s3 =	sadd.s32 s3, s9;
	s6 =	sadd.s32 @!p0 $0x88, s6;
	s7 =	simm.s32 @p2 $0x1082  }
0x22: {  	[simem:s7], [sflag:s8] =	dma.local @!p0 [hbm:s6], $0xF7A  }
0x23: {  	s9 =	sor.u32 $0xD0000000, s2;
	s6 =	simm.s32 $0x108;
	_ =	swait.ge @!p0 [sflag:s8], $0x0  }
0x24: {  	s3 =	sadd.s32 $0x88, s3;
	s6 =	simm.s32 @!p1 $0x1082;
	[sflag:s4] =	ssyncset.s32 $0xFFFFF086  }
0x25: {  	[simem:s6], [sflag:s4] =	dma.local [hbm:s3], $0xF7A  }
0x26: {  	[smem:$0x3FA0] =	sst s1;
	(tag) =	ssettag s2;
	_ =	strace s9  }
0x27: {  	s1 =	sld [smem:$0x3FB0]  }
0x28: {  	s2 =	sld [smem:$0x3FB1]  }
0x29: {  	s4 =	sld [smem:$0x3FB3]  }
0x2a: {  	p0 =	seq.s32 s5, $0x0;
	s5 =	sld [smem:$0x3FB4]  }
0x2b: {  	s6 =	sld [smem:$0x3FB5]  }
0x2c: {  	s7 =	sld [smem:$0x3FB6]  }
0x2d: {  	s3 =	simm.s32 $0x108;
	s8 =	sld [smem:$0x3FB7]  }
0x2e: {  	s3 =	simm.s32 @!p0 $0x1082;
	s9 =	sld [smem:$0x3FB8]  }
0x2f: {  	lr =	sadd.s32 s0, s3;
	s0 =	sld [smem:$0x3FAF]  }
0x30: {  	s3 =	sld [smem:$0x3FB2]  }
0x31: {  	[smem:$0x3FBB] =	sst s10  }
0x32: {  	s10 =	sld [smem:$0x3FB9];
	_ =	sdelay $0x3  }
0x33: {  	p0 =	seq.s32 s10, $0x1;
	s10 =	sld [smem:$0x3FBB];
	_ =	sdelay $0x3  }
0x34: {  	[smem:$0x3FBB] =	sst s10  }
0x35: {  	s10 =	sld [smem:$0x3FBA];
	_ =	sdelay $0x3  }
0x36: {  	p1 =	seq.s32 s10, $0x1;
	s10 =	sld [smem:$0x3FBB];
	_ =	sdelay $0x3  }
0x37: {  	[smem:$0x3FBB] =	sst s10  }
0x38: {  	s10 =	sld [smem:$0x3FBC]  }
0x39: {  	_ = 	snop;
	(pc) =	sbr.ind lr, $3  }
0x3a: {  	_ = 	snop  }
0x3b: {  	_ = 	snop  }
0x3c: {  	p2 =	seq.s32 s10, $0x1;
	s10 =	sld [smem:$0x3FBB]  }
0x3d: {  	_ =	shalt  }
0x3e: {  	_ =	shalt  }
0x3f: {  	_ =	shalt  }
0x40: {  	_ =	shalt  }
0x41: {  	_ =	shalt  }
0x42: {  	_ =	shalt  }
0x43: {  	_ =	shalt  }
0x44: {  	_ =	shalt  }
0x45: {  	_ =	shalt  }
0x46: {  	_ =	shalt  }
0x47: {  	_ =	shalt  }
0x48: {  	_ =	shalt  }
0x49: {  	_ =	shalt  }
0x4a: {  	_ =	shalt  }
0x4b: {  	_ =	shalt  }
0x4c: {  	_ =	shalt  }
0x4d: {  	_ =	shalt  }
0x4e: {  	_ =	shalt  }
0x4f: {  	_ =	shalt  }
0x50: {  	_ =	shalt  }
0x51: {  	_ =	shalt  }
0x52: {  	_ =	shalt  }
0x53: {  	_ =	shalt  }
0x54: {  	_ =	shalt  }
0x55: {  	_ =	shalt  }
0x56: {  	_ =	shalt  }
0x57: {  	_ =	shalt  }
0x58: {  	_ =	shalt  }
0x59: {  	_ =	shalt  }
0x5a: {  	_ =	shalt  }
0x5b: {  	_ =	shalt  }
0x5c: {  	_ =	shalt  }
0x5d: {  	_ =	shalt  }
0x5e: {  	_ =	shalt  }
0x5f: {  	_ =	shalt  }
0x60: {  	_ =	shalt  }
0x61: {  	_ =	shalt  }
0x62: {  	_ =	shalt  }
0x63: {  	_ =	shalt  }
0x64: {  	_ =	shalt  }
0x65: {  	_ =	shalt  }
0x66: {  	_ =	shalt  }
0x67: {  	_ =	shalt  }
0x68: {  	_ =	shalt  }
0x69: {  	_ =	shalt  }
0x6a: {  	_ =	shalt  }
0x6b: {  	_ =	shalt  }
0x6c: {  	_ =	shalt  }
0x6d: {  	_ =	shalt  }
0x6e: {  	_ =	shalt  }
0x6f: {  	_ =	shalt  }
0x70: {  	_ =	shalt  }
0x71: {  	_ =	shalt  }
0x72: {  	_ =	shalt  }
0x73: {  	_ =	shalt  }
0x74: {  	_ =	shalt  }
0x75: {  	_ =	shalt  }
0x76: {  	_ =	shalt  }
0x77: {  	_ =	shalt  }
0x78: {  	_ =	shalt  }
0x79: {  	_ =	shalt  }
0x7a: {  	_ =	shalt  }
0x7b: {  	_ =	shalt  }
0x7c: {  	_ =	shalt  }
0x7d: {  	_ =	shalt  }
0x7e: {  	_ =	shalt  }
0x7f: {  	_ =	shalt  }
0x80: {  	_ =	shalt  }
0x81: {  	_ =	shalt  }
0x82: {  	_ =	shalt  }
0x83: {  	_ =	shalt  }
0x84: {  	_ =	shalt  }
0x85: {  	_ =	shalt  }
0x86: {  	_ =	shalt  }
0x87: {  	_ =	shalt  }
.Lfunc_end0:
.L_simem_size_0:
called_computation_lowered:
.L_overlay_start_0:
0x88: {  	s2 =	sld [smem:$0x3FD9]  }
0x89: {  	s3 =	sld [smem:$0x3FFE];
	_ =	sdelay $0x1  }
0x8a: {  	s1 =	srdreg.scid  }
0x8b: {  	s0 =	sand.u32 $0x1, s1  }
0x8c: {  	s17 =	sshll.u32 s0, $0xA;
	s2 =	sadd.s32 s3, s2  }
0x8d: {  	s2 =	sadd.s32 s2, s17  }
0x8e: {  	[smem:$0x3FC7] =	sst s2  }
0x8f: {  	_ = 	snop  }
0x90: {  	s2 =	sld [smem:$0x3FC9];
	(tm) =	ssettm $0x1  }
0x91: {  	s18 =	sld [smem:$0x3FFB];
	_ =	sdelay $0x3  }
0x92: {  	_ =	strace s18  }
0x93: {  	s3 =	sld [smem:$0x3FFC];
	_ =	sdelay $0x3  }
0x94: {  	_ =	strace s3  }
0x95: {  	s3 =	sld [smem:$0x3FFD];
	_ =	sdelay $0x3  }
0x96: {  	_ =	strace s3  }
0x97: {  	_ =	strace $0x8FFFFFFF  }
0x98: {  	s19 =	sld [smem:$0x3FDB];
	_ =	sdelay $0x1  }
0x99: {  	s4 =	simm.s32 $_scs_section_size  }
0x9a: {  	s5 =	simm.s32 $_size__tile_overlayer_lowered;
	s6 =	simm.s32 $_tile_overlayer_lowered  }
0x9b: {  	s22 =	simm.s32 $0x1BFF;
	s21 =	sshll.u32 s6, $0x1;
	s3 =	sadd.s32 s4, s19  }
0x9c: {  	s7 =	simm.s32 $0x0;
	s20 =	sshll.u32 s5, $0x1;
	s5 =	sadd.s32 s21, s3  }
0x9d: {  	[timem:s7], [sflag:s22] =	dma.local [hbm:s5], s20  }
0x9e: {  	_ =	swait.ge [sflag:s22], s20  }
0x9f: {  	s4 =	ssub.s32 $0x0, s20;
	[sflag:s22] =	ssyncset.done $0x0  }
0xa0: {  	[sflag:s22] =	ssyncadd.s32 s4;
	_ =	sdelay $0x1  }
0xa1: {  	s23 =	simm.s32 $0x1B8B  }
0xa2: {  	_ =	swait.ge [sflag:s23], $0x1  }
0xa3: {  	[sflag:s23] =	ssyncset.done $0x0  }
0xa4: {  	s25 =	simm.s32 $0x1B8E;
	s24 =	sld [smem:$0x3FFE];
	[sflag:s23] =	ssyncadd.s32 $0xFFFFFFFF  }
0xa5: {  	s26 =	simm.s32 $execute0_lowered;
	[smem:$0x3FD2] =	sst s25  }
0xa6: {  	s5 =	sshll.u32 s26, $0x1;
	_ =	strace $0x80000046;
	[dreg:$0x1] =	wrdreg $0xFFFFFFFF  }
0xa7: {  	s28 =	simm.s32 $_size_execute0_lowered;
	s3 =	sadd.s32 s3, s5;
	[dreg:$0x0] =	wrdreg $0x0  }
0xa8: {  	s5 =	sshll.u32 s28, $0x1;
	[dreg:$0x2] =	wrdreg s3  }
0xa9: {  	[dreg:$0x3] =	wrdreg s5  }
0xaa: {  	[dreg:$0x4] =	wrdreg $0xC0  }
0xab: {  	_ =	task [dreg:s7], $0x5FFFF  }
0xac: {  	[dreg:$0x1] =	wrdreg $0xFFFFFFFF  }
0xad: {  	[dreg:$0x0] =	wrdreg $0x60  }
0xae: {  	[dreg:$0x2] =	wrdreg s2  }
0xaf: {  	[dreg:$0x3] =	wrdreg s24  }
0xb0: {  	[dreg:$0x4] =	wrdreg $0x9  }
0xb1: {  	_ =	task.clear_ibuf [dreg:s7], $0x5FFFF;
	_ =	strace $0x90000046  }
0xb2: {  	s29 =	simm.s32 $0x9;
	_ =	strace $0x80000048  }
0xb3: {  	_ =	swait.ge [sflag:s29], $0x1  }
0xb4: {  	[sflag:s29] =	ssyncadd.s32 $0xFFFFFFFF  }
0xb5: {  	_ =	strace $0x90000048  }
0xb6: {  	_ =	sfence  }
0xb7: {  	s30 =	sld [smem:$0x0];
	_ =	sdelay $0x2  }
0xb8: {  	s31 =	sshll.u32 s1, $0xD;
	s1 =	sshrl.u32 s1, $0x2  }
0xb9: {  	s3 =	sand.u32 $0x4000, s31;
	s1 =	sadd.s32 s1, s30  }
0xba: {  	s0 =	sor.u32 s3, s0;
	s1 =	sshll.u32 s1, $0x11  }
0xbb: {  	s0 =	sor.u32 s1, s0  }
0xbc: {  	s0 =	sadd.s32 $0x8F2B, s0  }
0xbd: {  	[sflag:s0] =	ssyncadd.remote.s32 $0x1  }
0xbe: {  	_ =	sfence.sel $0xFFFF  }
0xbf: {  	[dreg:$0x0] =	wrdreg $0xFFFFFFFF;
	(pc) =	sbr.abs _section_cstart, $3  }
0xc0: {  	[dreg:$0x1] =	wrdreg $0xFFFFFFFF  }
0xc1: {  	_ =	task.clear_ibuf [dreg:s7], $0x2FFFF;
	_ =	strace $0x9FFFFFFF  }
0xc2: {  	(tm) =	ssettm $0x7FFFFFFF  }
0xc3: {  	_ =	shalt  }
tec
execute0_lowered:
.L_overlay_start_1:
0x0: {  	(tag) =	ssettag $0x1  }
0x1: {  	s5 =	rddreg [dreg:$0x0]  }
0x2: {  	s3 =	rddreg [dreg:$0x1]  }
0x3: {  	s0 =	rddreg [dreg:$0x2];
	s1 =	simm.s32 $0x0  }
0x4: {  	s2 =	srdreg.scid;
	s10 =	simm.s32 $0x0;
	[smem:$0x7FF] =	sst s1  }
0x5: {  	s4 =	sand.u32 $0x1, s2;
	s2 =	stileid.u32;
	s9 =	sadd.s32 $0x400, s3  }
0x6: {  	v5 =	vlaneseq.u32;
	v3 =	vimm.s32 $0x7D7C7B7A;
	s6 =	ssub.s32 $0x2, s4;
	s8 =	sshll.u32 s2, $0xE;
	s4 =	sshll.u32 s4, $0xD  }
0x7: {  	v4 =	vimm.s32 $0x63626160;
	vm0 =	vcmask $0xF00;
	v0 =	vadd.s32 $0x1A, v5;
	_ =	strace $0x80000047;
	s7 =	sshrl.u32 s6, $0x1;
	s31 =	sor.u32 s4, s8  }
0x8: {  	v1 =	vadd.s32 $0x2A, v5;
	v6 =	vunpack.c.0.s8.s32 v3;
	v7 =	vunpack.c.0.s8.s32 v4;
	s8 =	simm.s32 $0x1;
	s7 =	ssub.s32 s6, s7;
	s6 =	sor.u32 $0x1000, s31  }
0x9: {  	v2 =	vadd.s32 $0x3A, v5;
	v3 =	vadd.s32 $0x4A, v5;
	v4 =	vadd.s32 $0x5A, v5;
	s3 =	sadd.s32 s5, s31;
	s4 =	sadd.s32 s9, s31;
	s5 =	sadd.s32 s5, s6  }
0xa: {  	v5 =	vadd.s32 $0x6A, v5;
	v6 =	vnsel vm0, $0x7D, v6;
	v7 =	vnsel vm0, $0x63, v7;
	s6 =	sadd.s32 s9, s6;
	s7 =	smax.u32 s7, $0x1;
	s9 =	simm.s32 $0x8000  }
.LBB2_1:
0xb: {  	s20 =	simm.s32 $0x0  }
0xc: {  	v8 =	vor.u32 s20, v0  }
0xd: {  	[tilespmem:s1], [sflag:$0x1] =	stream.linear.gather [hbm4b:s3+s1], $0x8000, $0x38;
	[tilespmem:$0x10000] =	vst v63  }
0xe: {  	s11 =	simm.s32 $0x80;
	_ =	swait.ge [sflag:s8], $0x8000  }
0xf: {  	s18 =	simm.s32 $0x100;
	v9 =	vor.u32 s11, v0;
	[sflag:s8] =	ssyncset.done $0x0  }
0x10: {  	s19 =	simm.s32 $0x180;
	v10 =	vor.u32 s18, v0;
	[sflag:s8] =	ssyncadd.s32 $0xFFFF8000  }
0x11: {  	v11 =	vor.u32 s19, v0;
	v8 =	vld.idx.msk [tilespmem:v8+s1+$0x0], $0xffff  }
0x12: {  	v12 =	vor.u32 s20, v1;
	_ =	sdelay $0x1  }
0x13: {  	v9 =	vld.idx.msk [tilespmem:v9+s1+$0x0], $0xffff  }
0x14: {  	s12 =	simm.s32 $0x8100;
	v13 =	vor.u32 s11, v1;
	v10 =	vld.idx.msk [tilespmem:v10+s1+$0x0], $0xffff  }
0x15: {  	v11 =	vld.idx.msk [tilespmem:v11+s1+$0x0], $0xffff;
	[tilespmem:s12+$0xFFFFFF00] =	vst v8;
	v8 =	vor.u32 s18, v1  }
0x16: {  	v14 =	vor.u32 s19, v1;
	v12 =	vld.idx.msk [tilespmem:v12+s1+$0x0], $0xffff;
	_ =	sdelay $0x1  }
0x17: {  	v15 =	vor.u32 s20, v2;
	[tilespmem:s12+$0xFFFFFF80] =	vst v9  }
0x18: {  	[tilespmem:s12+$0x0] =	vst v10;
	v9 =	vld.idx.msk [tilespmem:v13+s1+$0x0], $0xffff  }
0x19: {  	[tilespmem:s12+$0x80] =	vst v11;
	v10 =	vor.u32 s11, v2;
	v8 =	vld.idx.msk [tilespmem:v8+s1+$0x0], $0xffff  }
0x1a: {  	v11 =	vld.idx.msk [tilespmem:v14+s1+$0x0], $0xffff;
	[tilespmem:s12+$0xFFFFFF10] =	vst v12;
	v12 =	vor.u32 s18, v2  }
0x1b: {  	v13 =	vor.u32 s19, v2  }
0x1c: {  	v14 =	vld.idx.msk [tilespmem:v15+s1+$0x0], $0xffff  }
0x1d: {  	[tilespmem:s12+$0xFFFFFF90] =	vst v9;
	v15 =	vor.u32 s20, v3  }
0x1e: {  	v9 =	vld.idx.msk [tilespmem:v10+s1+$0x0], $0xffff;
	[tilespmem:s12+$0x10] =	vst v8  }
0x1f: {  	[tilespmem:s12+$0x90] =	vst v11;
	v8 =	vor.u32 s11, v3;
	v10 =	vld.idx.msk [tilespmem:v12+s1+$0x0], $0xffff  }
0x20: {  	v11 =	vld.idx.msk [tilespmem:v13+s1+$0x0], $0xffff;
	v12 =	vor.u32 s18, v3  }
0x21: {  	s13 =	simm.s32 $0x280;
	[tilespmem:s12+$0xFFFFFF20] =	vst v14;
	v14 =	vor.u32 s19, v3  }
0x22: {  	v16 =	vor.u32 s13, v0;
	v13 =	vld.idx.msk [tilespmem:v15+s1+$0x0], $0xffff  }
0x23: {  	s15 =	simm.s32 $0x200;
	[tilespmem:s12+$0xFFFFFFA0] =	vst v9;
	v15 =	vor.u32 s20, v4  }
0x24: {  	s14 =	simm.s32 $0x380;
	v9 =	vor.u32 s15, v0;
	v8 =	vld.idx.msk [tilespmem:v8+s1+$0x0], $0xffff;
	[tilespmem:s12+$0x20] =	vst v10  }
0x25: {  	s16 =	simm.s32 $0x300;
	[tilespmem:s12+$0xA0] =	vst v11;
	v10 =	vor.u32 s14, v0;
	v11 =	vld.idx.msk [tilespmem:v12+s1+$0x0], $0xffff  }
0x26: {  	v12 =	vld.idx.msk [tilespmem:v14+s1+$0x0], $0xffff;
	v14 =	vor.u32 s16, v0  }
0x27: {  	v16 =	vld.idx.msk [tilespmem:v16+s1+$0x0], $0xffff;
	[tilespmem:s12+$0xFFFFFF30] =	vst v13;
	v13 =	vor.u32 s11, v4  }
0x28: {  	v17 =	vor.u32 s18, v4;
	v15 =	vld.idx.msk [tilespmem:v15+s1+$0x0], $0xffff  }
0x29: {  	v18 =	vor.u32 s20, v5;
	v9 =	vld.idx.msk [tilespmem:v9+s1+$0x0], $0xffff;
	[tilespmem:s12+$0xFFFFFFB0] =	vst v8  }
0x2a: {  	v8 =	vor.u32 s15, v1;
	v10 =	vld.idx.msk [tilespmem:v10+s1+$0x0], $0xffff;
	[tilespmem:s12+$0x30] =	vst v11  }
0x2b: {  	v11 =	vor.u32 s13, v1;
	[tilespmem:s12+$0xB0] =	vst v12;
	v12 =	vld.idx.msk [tilespmem:v14+s1+$0x0], $0xffff  }
0x2c: {  	v14 =	vor.u32 s14, v1;
	v13 =	vld.idx.msk [tilespmem:v13+s1+$0x0], $0xffff  }
0x2d: {  	s17 =	simm.s32 $0x8300;
	v19 =	vor.u32 s19, v4;
	[tilespmem:s12+$0xFFFFFF40] =	vst v15;
	v15 =	vld.idx.msk [tilespmem:v17+s1+$0x0], $0xffff  }
0x2e: {  	[tilespmem:s17+$0xFFFFFF00] =	vst v9;
	v9 =	vor.u32 s16, v1;
	v17 =	vld.idx.msk [tilespmem:v18+s1+$0x0], $0xffff  }
0x2f: {  	[tilespmem:s17+$0xFFFFFF80] =	vst v16;
	v16 =	vor.u32 s18, v5;
	v8 =	vld.idx.msk [tilespmem:v8+s1+$0x0], $0xffff  }
0x30: {  	[tilespmem:s17+$0x80] =	vst v10;
	v10 =	vor.u32 s20, v6;
	v11 =	vld.idx.msk [tilespmem:v11+s1+$0x0], $0xffff  }
0x31: {  	v18 =	vor.u32 s15, v2;
	v14 =	vld.idx.msk [tilespmem:v14+s1+$0x0], $0xffff;
	[tilespmem:s17+$0x0] =	vst v12  }
0x32: {  	v12 =	vld.idx.msk [tilespmem:v19+s1+$0x0], $0xffff;
	[tilespmem:s12+$0xFFFFFFC0] =	vst v13;
	v13 =	vor.u32 s13, v2  }
0x33: {  	v19 =	vor.u32 s14, v2;
	v9 =	vld.idx.msk [tilespmem:v9+s1+$0x0], $0xffff;
	[tilespmem:s12+$0x40] =	vst v15  }
0x34: {  	[tilespmem:s12+$0xFFFFFF50] =	vst v17;
	v16 =	vld.idx.msk [tilespmem:v16+s1+$0x0], $0xffff;
	v17 =	vor.u32 s19, v5  }
0x35: {  	[tilespmem:s17+$0xFFFFFF10] =	vst v8;
	v8 =	vor.u32 s16, v2;
	v10 =	vld.idx.msk [tilespmem:v10+s1+$0x0], $0xffff  }
0x36: {  	v20 =	vor.u32 s20, v7;
	v18 =	vld.idx.msk [tilespmem:v18+s1+$0x0], $0xffff;
	[tilespmem:s17+$0xFFFFFF90] =	vst v11;
	v11 =	vor.u32 s18, v6  }
0x37: {  	v21 =	vor.u32 s11, v5;
	[tilespmem:s17+$0x90] =	vst v14;
	v22 =	vld.idx.msk [tilespmem:v13+s1+$0x0], $0xffff  }
0x38: {  	v23 =	vor.u32 s15, v3;
	[tilespmem:s12+$0xC0] =	vst v12;
	v15 =	vld.idx.msk [tilespmem:v19+s1+$0x0], $0xffff  }
0x39: {  	[tilespmem:s17+$0x10] =	vst v9;
	v13 =	vld.idx.msk [tilespmem:v17+s1+$0x0], $0xffff  }
0x3a: {  	v17 =	vld.idx.msk [tilespmem:v8+s1+$0x0], $0xffff;
	[tilespmem:s12+$0x50] =	vst v16;
	v16 =	vor.u32 s13, v3  }
0x3b: {  	v14 =	vor.u32 s18, v7;
	[tilespmem:v20+s9+$0x0] =	vst.idx.msk $0xf, v10;
	v10 =	vor.u32 s19, v6;
	v12 =	vld.idx.msk [tilespmem:v11+s1+$0x0], $0xffff  }
0x3c: {  	v9 =	vor.u32 s11, v6;
	v19 =	vor.u32 s16, v3;
	[tilespmem:s17+$0xFFFFFF20] =	vst v18;
	v11 =	vld.idx.msk [tilespmem:v21+s1+$0x0], $0xffff  }
0x3d: {  	s18 =	simm.s32 $0x8;
	v8 =	vor.u32 s19, v7;
	v20 =	vor.u32 s14, v3;
	v18 =	vld.idx.msk [tilespmem:v23+s1+$0x0], $0xffff;
	[tilespmem:s17+$0xFFFFFFA0] =	vst v22  }
.LBB2_2:
0x3e: {  	s21 =	sshll.u32 s18, $0x7;
	p0 =	slt.u32 s18, $0xFC;
	s18 =	sadd.s32 $0x4, s18;
	[tilespmem:s17+$0xA0] =	vst v15  }
0x3f: {  	v21 =	vor.u32 s15, v4;
	v15 =	vor.u32 s21, v0;
	s22 =	sadd.s32 $0x80, s21;
	s19 =	sadd.s32 $0x100, s21;
	s20 =	sadd.s32 $0x180, s21;
	v16 =	vld.idx.msk [tilespmem:v16+s1+$0x0], $0xffff;
	[tilespmem:s12+$0xD0] =	vst v13  }
0x40: {  	v13 =	vor.u32 s22, v0;
	v22 =	vor.u32 s20, v0;
	[tilespmem:s17+$0x20] =	vst v17;
	v10 =	vld.idx.msk [tilespmem:v10+s1+$0x0], $0xffff  }
0x41: {  	v23 =	vor.u32 s11, v7;
	s11 =	smov.u32 s13;
	v17 =	vor.u32 s19, v0;
	s13 =	smov.u32 s22;
	v19 =	vld.idx.msk [tilespmem:v19+s1+$0x0], $0xffff;
	[tilespmem:v14+s9+$0x0] =	vst.idx.msk $0xf, v12  }
0x42: {  	v12 =	vld.idx.msk [tilespmem:v20+s1+$0x0], $0xffff;
	[tilespmem:s12+$0xFFFFFFD0] =	vst v11;
	s12 =	smov.u32 s17  }
0x43: {  	v11 =	vor.u32 s11, v4;
	[tilespmem:s17+$0xFFFFFF30] =	vst v18;
	v9 =	vld.idx.msk [tilespmem:v9+s1+$0x0], $0xffff  }
0x44: {  	v14 =	vld.idx.msk [tilespmem:v21+s1+$0x0], $0xffff  }
0x45: {  	v15 =	vld.idx.msk [tilespmem:v15+s1+$0x0], $0xffff;
	[tilespmem:s17+$0xFFFFFFB0] =	vst v16;
	v16 =	vor.u32 s16, v4  }
0x46: {  	v18 =	vor.u32 s15, v5;
	v13 =	vld.idx.msk [tilespmem:v13+s1+$0x0], $0xffff;
	[tilespmem:v8+s9+$0x0] =	vst.idx.msk $0xf, v10  }
0x47: {  	v8 =	vor.u32 s21, v1;
	v10 =	vld.idx.msk [tilespmem:v22+s1+$0x0], $0xffff;
	[tilespmem:s17+$0x30] =	vst v19  }
0x48: {  	v19 =	vor.u32 s13, v1;
	v11 =	vld.idx.msk [tilespmem:v11+s1+$0x0], $0xffff;
	[tilespmem:s17+$0xB0] =	vst v12  }
0x49: {  	v20 =	vor.u32 s14, v4;
	s17 =	sadd.s32 $0x200, s17;
	v12 =	vld.idx.msk [tilespmem:v17+s1+$0x0], $0xffff;
	v17 =	vor.u32 s20, v1;
	[tilespmem:v23+s9+$0x0] =	vst.idx.msk $0xf, v9  }
0x4a: {  	[tilespmem:s12+$0xFFFFFF40] =	vst v14;
	v9 =	vld.idx.msk [tilespmem:v16+s1+$0x0], $0xffff  }
0x4b: {  	v14 =	vor.u32 s19, v1;
	[tilespmem:s17+$0xFFFFFF00] =	vst v15;
	v15 =	vld.idx.msk [tilespmem:v18+s1+$0x0], $0xffff  }
0x4c: {  	v8 =	vld.idx.msk [tilespmem:v8+s1+$0x0], $0xffff;
	[tilespmem:s17+$0xFFFFFF80] =	vst v13;
	v13 =	vor.u32 s16, v5  }
0x4d: {  	v16 =	vld.idx.msk [tilespmem:v19+s1+$0x0], $0xffff;
	[tilespmem:s17+$0x80] =	vst v10;
	v10 =	vor.u32 s15, v6  }
0x4e: {  	v18 =	vor.u32 s21, v2;
	v17 =	vld.idx.msk [tilespmem:v17+s1+$0x0], $0xffff;
	[tilespmem:s12+$0xFFFFFFC0] =	vst v11  }
0x4f: {  	v11 =	vor.u32 s13, v2;
	[tilespmem:s17+$0x0] =	vst v12;
	v12 =	vld.idx.msk [tilespmem:v20+s1+$0x0], $0xffff  }
0x50: {  	v19 =	vor.u32 s20, v2;
	v14 =	vld.idx.msk [tilespmem:v14+s1+$0x0], $0xffff;
	[tilespmem:s12+$0x40] =	vst v9  }
0x51: {  	v9 =	vor.u32 s15, v7;
	s15 =	smov.u32 s21;
	[tilespmem:s12+$0xFFFFFF50] =	vst v15;
	v20 =	vld.idx.msk [tilespmem:v13+s1+$0x0], $0xffff;
	v13 =	vor.u32 s14, v5  }
0x52: {  	[tilespmem:s17+$0xFFFFFF10] =	vst v8;
	v8 =	vor.u32 s19, v2;
	v21 =	vld.idx.msk [tilespmem:v10+s1+$0x0], $0xffff;
	v10 =	vor.u32 s14, v6  }
0x53: {  	v22 =	vor.u32 s11, v5;
	v23 =	vor.u32 s16, v6;
	v18 =	vld.idx.msk [tilespmem:v18+s1+$0x0], $0xffff;
	[tilespmem:s17+$0xFFFFFF90] =	vst v16  }
0x54: {  	v24 =	vld.idx.msk [tilespmem:v11+s1+$0x0], $0xffff;
	[tilespmem:s17+$0x90] =	vst v17  }
0x55: {  	v25 =	vor.u32 s15, v3;
	v15 =	vld.idx.msk [tilespmem:v19+s1+$0x0], $0xffff;
	[tilespmem:s12+$0xC0] =	vst v12  }
.Ltmp0:
0x56: {  	[tilespmem:s17+$0x10] =	vst v14;
	v13 =	vld.idx.msk [tilespmem:v13+s1+$0x0], $0xffff;
	(pc) =	sbr.rel @p0 .LBB2_2-.Ltmp0, $4  }
0x57: {  	v16 =	vor.u32 s13, v3;
	v17 =	vld.idx.msk [tilespmem:v8+s1+$0x0], $0xffff;
	[tilespmem:s12+$0x50] =	vst v20  }
0x58: {  	v19 =	vor.u32 s19, v3;
	[tilespmem:v9+s9+$0x0] =	vst.idx.msk $0xf, v21;
	v9 =	vor.u32 s11, v6;
	v12 =	vld.idx.msk [tilespmem:v23+s1+$0x0], $0xffff  }
0x59: {  	v14 =	vor.u32 s16, v7;
	s16 =	smov.u32 s19;
	v8 =	vor.u32 s14, v7;
	s14 =	smov.u32 s20;
	[tilespmem:s17+$0xFFFFFF20] =	vst v18;
	v11 =	vld.idx.msk [tilespmem:v22+s1+$0x0], $0xffff  }
0x5a: {  	v20 =	vor.u32 s14, v3;
	v18 =	vld.idx.msk [tilespmem:v25+s1+$0x0], $0xffff;
	[tilespmem:s17+$0xFFFFFFA0] =	vst v24  }
0x5b: {  	_ =	sdelay $0x2  }
0x5c: {  	[tilespmem:s17+$0x20] =	vst v17  }
0x5d: {  	[tilespmem:s17+$0xA0] =	vst v15;
	v15 =	vor.u32 s15, v4;
	v17 =	vld.idx.msk [tilespmem:v19+s1+$0x0], $0xffff  }
0x5e: {  	v19 =	vld.idx.msk [tilespmem:v20+s1+$0x0], $0xffff;
	v20 =	vor.u32 s16, v4  }
0x5f: {  	v16 =	vld.idx.msk [tilespmem:v16+s1+$0x0], $0xffff;
	v21 =	vor.u32 s14, v4  }
0x60: {  	v22 =	vor.u32 s13, v4  }
0x61: {  	[tilespmem:s17+$0xFFFFFF30] =	vst v18  }
0x62: {  	v15 =	vld.idx.msk [tilespmem:v15+s1+$0x0], $0xffff;
	[tilespmem:s17+$0x30] =	vst v17  }
0x63: {  	v17 =	vor.u32 s15, v5;
	[tilespmem:s17+$0xB0] =	vst v19;
	v18 =	vld.idx.msk [tilespmem:v20+s1+$0x0], $0xffff  }
0x64: {  	[tilespmem:s17+$0xFFFFFFB0] =	vst v16;
	v16 =	vor.u32 s16, v5;
	v19 =	vld.idx.msk [tilespmem:v21+s1+$0x0], $0xffff  }
0x65: {  	v20 =	vld.idx.msk [tilespmem:v22+s1+$0x0], $0xffff;
	v21 =	vor.u32 s14, v5  }
0x66: {  	[tilespmem:s12+$0xD0] =	vst v13;
	v13 =	vor.u32 s13, v5  }
0x67: {  	[tilespmem:s17+$0xFFFFFF40] =	vst v15  }
0x68: {  	v15 =	vld.idx.msk [tilespmem:v17+s1+$0x0], $0xffff;
	[tilespmem:s17+$0x40] =	vst v18  }
0x69: {  	v17 =	vor.u32 s15, v6;
	[tilespmem:s17+$0xC0] =	vst v19;
	v16 =	vld.idx.msk [tilespmem:v16+s1+$0x0], $0xffff  }
0x6a: {  	[tilespmem:s17+$0xFFFFFFC0] =	vst v20;
	v18 =	vor.u32 s16, v6;
	v19 =	vld.idx.msk [tilespmem:v21+s1+$0x0], $0xffff  }
0x6b: {  	[tilespmem:v14+s9+$0x0] =	vst.idx.msk $0xf, v12;
	v12 =	vor.u32 s14, v6;
	v13 =	vld.idx.msk [tilespmem:v13+s1+$0x0], $0xffff  }
0x6c: {  	v10 =	vld.idx.msk [tilespmem:v10+s1+$0x0], $0xffff;
	[tilespmem:s12+$0xFFFFFFD0] =	vst v11;
	v11 =	vor.u32 s13, v6  }
0x6d: {  	v14 =	vor.u32 s11, v7;
	v9 =	vld.idx.msk [tilespmem:v9+s1+$0x0], $0xffff;
	[tilespmem:s17+$0xFFFFFF50] =	vst v15  }
0x6e: {  	v15 =	vor.u32 s15, v7;
	v17 =	vld.idx.msk [tilespmem:v17+s1+$0x0], $0xffff;
	[tilespmem:s17+$0x50] =	vst v16  }
0x6f: {  	[tilespmem:s17+$0xD0] =	vst v19;
	v16 =	vld.idx.msk [tilespmem:v18+s1+$0x0], $0xffff;
	v18 =	vor.u32 s16, v7  }
0x70: {  	v19 =	vor.u32 s14, v7;
	[tilespmem:s17+$0xFFFFFFD0] =	vst v13;
	v12 =	vld.idx.msk [tilespmem:v12+s1+$0x0], $0xffff  }
0x71: {  	[tilespmem:v8+s9+$0x0] =	vst.idx.msk $0xf, v10;
	v8 =	vor.u32 s13, v7;
	v10 =	vld.idx.msk [tilespmem:v11+s1+$0x0], $0xffff  }
0x72: {  	[tilespmem:v14+s9+$0x0] =	vst.idx.msk $0xf, v9  }
0x73: {  	[tilespmem:v15+s9+$0x0] =	vst.idx.msk $0xf, v17  }
0x74: {  	[tilespmem:v18+s9+$0x0] =	vst.idx.msk $0xf, v16  }
0x75: {  	[tilespmem:v19+s9+$0x0] =	vst.idx.msk $0xf, v12  }
0x76: {  	s31 =	simm.s32 $0x0;
	[tilespmem:v8+s9+$0x0] =	vst.idx.msk $0xf, v10  }
0x77: {  	[hbm4b:s4+s31] =	stream.linear.scatter [tilespmem:s9], [sflag:$0x1], $0x8000, $0x38;
	[tilespmem:$0x10000] =	vst v63  }
0x78: {  	_ =	swait.ge [sflag:s8], $0x8000  }
0x79: {  	s20 =	simm.s32 $0x0;
	[sflag:s8] =	ssyncset.done $0x0  }
0x7a: {  	v8 =	vor.u32 s20, v0;
	[sflag:s8] =	ssyncadd.s32 $0xFFFF8000  }
0x7b: {  	[tilespmem:s31], [sflag:$0x1] =	stream.linear.gather [hbm4b:s5+s31], $0x8000, $0x38;
	[tilespmem:$0x10000] =	vst v63  }
0x7c: {  	s11 =	simm.s32 $0x80;
	_ =	swait.ge [sflag:s8], $0x8000  }
0x7d: {  	s18 =	simm.s32 $0x100;
	v9 =	vor.u32 s11, v0;
	[sflag:s8] =	ssyncset.done $0x0  }
0x7e: {  	s19 =	simm.s32 $0x180;
	v10 =	vor.u32 s18, v0;
	[sflag:s8] =	ssyncadd.s32 $0xFFFF8000  }
0x7f: {  	v11 =	vor.u32 s19, v0;
	v8 =	vld.idx.msk [tilespmem:v8+s1+$0x0], $0xffff  }
0x80: {  	v12 =	vor.u32 s20, v1;
	_ =	sdelay $0x1  }
0x81: {  	v9 =	vld.idx.msk [tilespmem:v9+s1+$0x0], $0xffff  }
0x82: {  	s12 =	simm.s32 $0x8100;
	v13 =	vor.u32 s11, v1;
	v10 =	vld.idx.msk [tilespmem:v10+s1+$0x0], $0xffff  }
0x83: {  	v11 =	vld.idx.msk [tilespmem:v11+s1+$0x0], $0xffff;
	[tilespmem:s12+$0xFFFFFF00] =	vst v8;
	v8 =	vor.u32 s18, v1  }
0x84: {  	v14 =	vor.u32 s19, v1;
	v12 =	vld.idx.msk [tilespmem:v12+s1+$0x0], $0xffff;
	_ =	sdelay $0x1  }
0x85: {  	v15 =	vor.u32 s20, v2;
	[tilespmem:s12+$0xFFFFFF80] =	vst v9  }
0x86: {  	[tilespmem:s12+$0x0] =	vst v10;
	v9 =	vld.idx.msk [tilespmem:v13+s1+$0x0], $0xffff  }
0x87: {  	[tilespmem:s12+$0x80] =	vst v11;
	v10 =	vor.u32 s11, v2;
	v8 =	vld.idx.msk [tilespmem:v8+s1+$0x0], $0xffff  }
0x88: {  	v11 =	vld.idx.msk [tilespmem:v14+s1+$0x0], $0xffff;
	[tilespmem:s12+$0xFFFFFF10] =	vst v12;
	v12 =	vor.u32 s18, v2  }
0x89: {  	v13 =	vor.u32 s19, v2  }
0x8a: {  	v14 =	vld.idx.msk [tilespmem:v15+s1+$0x0], $0xffff  }
0x8b: {  	[tilespmem:s12+$0xFFFFFF90] =	vst v9;
	v15 =	vor.u32 s20, v3  }
0x8c: {  	v9 =	vld.idx.msk [tilespmem:v10+s1+$0x0], $0xffff;
	[tilespmem:s12+$0x10] =	vst v8  }
0x8d: {  	[tilespmem:s12+$0x90] =	vst v11;
	v8 =	vor.u32 s11, v3;
	v10 =	vld.idx.msk [tilespmem:v12+s1+$0x0], $0xffff  }
0x8e: {  	v11 =	vld.idx.msk [tilespmem:v13+s1+$0x0], $0xffff;
	v12 =	vor.u32 s18, v3  }
0x8f: {  	s13 =	simm.s32 $0x280;
	[tilespmem:s12+$0xFFFFFF20] =	vst v14;
	v14 =	vor.u32 s19, v3  }
0x90: {  	v16 =	vor.u32 s13, v0;
	v13 =	vld.idx.msk [tilespmem:v15+s1+$0x0], $0xffff  }
0x91: {  	s15 =	simm.s32 $0x200;
	[tilespmem:s12+$0xFFFFFFA0] =	vst v9;
	v15 =	vor.u32 s20, v4  }
0x92: {  	s14 =	simm.s32 $0x380;
	v9 =	vor.u32 s15, v0;
	v8 =	vld.idx.msk [tilespmem:v8+s1+$0x0], $0xffff;
	[tilespmem:s12+$0x20] =	vst v10  }
0x93: {  	s16 =	simm.s32 $0x300;
	[tilespmem:s12+$0xA0] =	vst v11;
	v10 =	vor.u32 s14, v0;
	v11 =	vld.idx.msk [tilespmem:v12+s1+$0x0], $0xffff  }
0x94: {  	v12 =	vld.idx.msk [tilespmem:v14+s1+$0x0], $0xffff;
	v14 =	vor.u32 s16, v0  }
0x95: {  	v16 =	vld.idx.msk [tilespmem:v16+s1+$0x0], $0xffff;
	[tilespmem:s12+$0xFFFFFF30] =	vst v13;
	v13 =	vor.u32 s11, v4  }
0x96: {  	v17 =	vor.u32 s18, v4;
	v15 =	vld.idx.msk [tilespmem:v15+s1+$0x0], $0xffff  }
0x97: {  	v18 =	vor.u32 s20, v5;
	v9 =	vld.idx.msk [tilespmem:v9+s1+$0x0], $0xffff;
	[tilespmem:s12+$0xFFFFFFB0] =	vst v8  }
0x98: {  	v8 =	vor.u32 s15, v1;
	v10 =	vld.idx.msk [tilespmem:v10+s1+$0x0], $0xffff;
	[tilespmem:s12+$0x30] =	vst v11  }
0x99: {  	v11 =	vor.u32 s13, v1;
	[tilespmem:s12+$0xB0] =	vst v12;
	v12 =	vld.idx.msk [tilespmem:v14+s1+$0x0], $0xffff  }
0x9a: {  	v14 =	vor.u32 s14, v1;
	v13 =	vld.idx.msk [tilespmem:v13+s1+$0x0], $0xffff  }
0x9b: {  	s17 =	simm.s32 $0x8300;
	v19 =	vor.u32 s19, v4;
	[tilespmem:s12+$0xFFFFFF40] =	vst v15;
	v15 =	vld.idx.msk [tilespmem:v17+s1+$0x0], $0xffff  }
0x9c: {  	[tilespmem:s17+$0xFFFFFF00] =	vst v9;
	v9 =	vor.u32 s16, v1;
	v17 =	vld.idx.msk [tilespmem:v18+s1+$0x0], $0xffff  }
0x9d: {  	[tilespmem:s17+$0xFFFFFF80] =	vst v16;
	v16 =	vor.u32 s18, v5;
	v8 =	vld.idx.msk [tilespmem:v8+s1+$0x0], $0xffff  }
0x9e: {  	[tilespmem:s17+$0x80] =	vst v10;
	v10 =	vor.u32 s20, v6;
	v11 =	vld.idx.msk [tilespmem:v11+s1+$0x0], $0xffff  }
0x9f: {  	v18 =	vor.u32 s15, v2;
	v14 =	vld.idx.msk [tilespmem:v14+s1+$0x0], $0xffff;
	[tilespmem:s17+$0x0] =	vst v12  }
0xa0: {  	v12 =	vld.idx.msk [tilespmem:v19+s1+$0x0], $0xffff;
	[tilespmem:s12+$0xFFFFFFC0] =	vst v13;
	v13 =	vor.u32 s13, v2  }
0xa1: {  	v19 =	vor.u32 s14, v2;
	v9 =	vld.idx.msk [tilespmem:v9+s1+$0x0], $0xffff;
	[tilespmem:s12+$0x40] =	vst v15  }
0xa2: {  	[tilespmem:s12+$0xFFFFFF50] =	vst v17;
	v16 =	vld.idx.msk [tilespmem:v16+s1+$0x0], $0xffff;
	v17 =	vor.u32 s19, v5  }
0xa3: {  	[tilespmem:s17+$0xFFFFFF10] =	vst v8;
	v8 =	vor.u32 s16, v2;
	v10 =	vld.idx.msk [tilespmem:v10+s1+$0x0], $0xffff  }
0xa4: {  	v20 =	vor.u32 s20, v7;
	v18 =	vld.idx.msk [tilespmem:v18+s1+$0x0], $0xffff;
	[tilespmem:s17+$0xFFFFFF90] =	vst v11;
	v11 =	vor.u32 s18, v6  }
0xa5: {  	v21 =	vor.u32 s11, v5;
	[tilespmem:s17+$0x90] =	vst v14;
	v22 =	vld.idx.msk [tilespmem:v13+s1+$0x0], $0xffff  }
0xa6: {  	v23 =	vor.u32 s15, v3;
	[tilespmem:s12+$0xC0] =	vst v12;
	v15 =	vld.idx.msk [tilespmem:v19+s1+$0x0], $0xffff  }
0xa7: {  	[tilespmem:s17+$0x10] =	vst v9;
	v13 =	vld.idx.msk [tilespmem:v17+s1+$0x0], $0xffff  }
0xa8: {  	v17 =	vld.idx.msk [tilespmem:v8+s1+$0x0], $0xffff;
	[tilespmem:s12+$0x50] =	vst v16;
	v16 =	vor.u32 s13, v3  }
0xa9: {  	v14 =	vor.u32 s18, v7;
	[tilespmem:v20+s9+$0x0] =	vst.idx.msk $0xf, v10;
	v10 =	vor.u32 s19, v6;
	v12 =	vld.idx.msk [tilespmem:v11+s1+$0x0], $0xffff  }
0xaa: {  	v9 =	vor.u32 s11, v6;
	v19 =	vor.u32 s16, v3;
	[tilespmem:s17+$0xFFFFFF20] =	vst v18;
	v11 =	vld.idx.msk [tilespmem:v21+s1+$0x0], $0xffff  }
0xab: {  	s18 =	simm.s32 $0x8;
	v8 =	vor.u32 s19, v7;
	v20 =	vor.u32 s14, v3;
	v18 =	vld.idx.msk [tilespmem:v23+s1+$0x0], $0xffff;
	[tilespmem:s17+$0xFFFFFFA0] =	vst v22  }
.LBB2_4:
0xac: {  	s21 =	sshll.u32 s18, $0x7;
	p0 =	slt.u32 s18, $0xFC;
	s18 =	sadd.s32 $0x4, s18;
	[tilespmem:s17+$0xA0] =	vst v15  }
0xad: {  	v21 =	vor.u32 s15, v4;
	v15 =	vor.u32 s21, v0;
	s22 =	sadd.s32 $0x80, s21;
	s19 =	sadd.s32 $0x100, s21;
	s20 =	sadd.s32 $0x180, s21;
	v16 =	vld.idx.msk [tilespmem:v16+s1+$0x0], $0xffff;
	[tilespmem:s12+$0xD0] =	vst v13  }
0xae: {  	v13 =	vor.u32 s22, v0;
	v22 =	vor.u32 s20, v0;
	[tilespmem:s17+$0x20] =	vst v17;
	v10 =	vld.idx.msk [tilespmem:v10+s1+$0x0], $0xffff  }
0xaf: {  	v23 =	vor.u32 s11, v7;
	s11 =	smov.u32 s13;
	v17 =	vor.u32 s19, v0;
	s13 =	smov.u32 s22;
	v19 =	vld.idx.msk [tilespmem:v19+s1+$0x0], $0xffff;
	[tilespmem:v14+s9+$0x0] =	vst.idx.msk $0xf, v12  }
0xb0: {  	v12 =	vld.idx.msk [tilespmem:v20+s1+$0x0], $0xffff;
	[tilespmem:s12+$0xFFFFFFD0] =	vst v11;
	s12 =	smov.u32 s17  }
0xb1: {  	v11 =	vor.u32 s11, v4;
	[tilespmem:s17+$0xFFFFFF30] =	vst v18;
	v9 =	vld.idx.msk [tilespmem:v9+s1+$0x0], $0xffff  }
0xb2: {  	v14 =	vld.idx.msk [tilespmem:v21+s1+$0x0], $0xffff  }
0xb3: {  	v15 =	vld.idx.msk [tilespmem:v15+s1+$0x0], $0xffff;
	[tilespmem:s17+$0xFFFFFFB0] =	vst v16;
	v16 =	vor.u32 s16, v4  }
0xb4: {  	v18 =	vor.u32 s15, v5;
	v13 =	vld.idx.msk [tilespmem:v13+s1+$0x0], $0xffff;
	[tilespmem:v8+s9+$0x0] =	vst.idx.msk $0xf, v10  }
0xb5: {  	v8 =	vor.u32 s21, v1;
	v10 =	vld.idx.msk [tilespmem:v22+s1+$0x0], $0xffff;
	[tilespmem:s17+$0x30] =	vst v19  }
0xb6: {  	v19 =	vor.u32 s13, v1;
	v11 =	vld.idx.msk [tilespmem:v11+s1+$0x0], $0xffff;
	[tilespmem:s17+$0xB0] =	vst v12  }
0xb7: {  	v20 =	vor.u32 s14, v4;
	s17 =	sadd.s32 $0x200, s17;
	v12 =	vld.idx.msk [tilespmem:v17+s1+$0x0], $0xffff;
	v17 =	vor.u32 s20, v1;
	[tilespmem:v23+s9+$0x0] =	vst.idx.msk $0xf, v9  }
0xb8: {  	[tilespmem:s12+$0xFFFFFF40] =	vst v14;
	v9 =	vld.idx.msk [tilespmem:v16+s1+$0x0], $0xffff  }
0xb9: {  	v14 =	vor.u32 s19, v1;
	[tilespmem:s17+$0xFFFFFF00] =	vst v15;
	v15 =	vld.idx.msk [tilespmem:v18+s1+$0x0], $0xffff  }
0xba: {  	v8 =	vld.idx.msk [tilespmem:v8+s1+$0x0], $0xffff;
	[tilespmem:s17+$0xFFFFFF80] =	vst v13;
	v13 =	vor.u32 s16, v5  }
0xbb: {  	v16 =	vld.idx.msk [tilespmem:v19+s1+$0x0], $0xffff;
	[tilespmem:s17+$0x80] =	vst v10;
	v10 =	vor.u32 s15, v6  }
0xbc: {  	v18 =	vor.u32 s21, v2;
	v17 =	vld.idx.msk [tilespmem:v17+s1+$0x0], $0xffff;
	[tilespmem:s12+$0xFFFFFFC0] =	vst v11  }
0xbd: {  	v11 =	vor.u32 s13, v2;
	[tilespmem:s17+$0x0] =	vst v12;
	v12 =	vld.idx.msk [tilespmem:v20+s1+$0x0], $0xffff  }
0xbe: {  	v19 =	vor.u32 s20, v2;
	v14 =	vld.idx.msk [tilespmem:v14+s1+$0x0], $0xffff;
	[tilespmem:s12+$0x40] =	vst v9  }
0xbf: {  	v9 =	vor.u32 s15, v7;
	s15 =	smov.u32 s21;
	[tilespmem:s12+$0xFFFFFF50] =	vst v15;
	v20 =	vld.idx.msk [tilespmem:v13+s1+$0x0], $0xffff;
	v13 =	vor.u32 s14, v5  }
0xc0: {  	[tilespmem:s17+$0xFFFFFF10] =	vst v8;
	v8 =	vor.u32 s19, v2;
	v21 =	vld.idx.msk [tilespmem:v10+s1+$0x0], $0xffff;
	v10 =	vor.u32 s14, v6  }
0xc1: {  	v22 =	vor.u32 s11, v5;
	v23 =	vor.u32 s16, v6;
	v18 =	vld.idx.msk [tilespmem:v18+s1+$0x0], $0xffff;
	[tilespmem:s17+$0xFFFFFF90] =	vst v16  }
0xc2: {  	v24 =	vld.idx.msk [tilespmem:v11+s1+$0x0], $0xffff;
	[tilespmem:s17+$0x90] =	vst v17  }
0xc3: {  	v25 =	vor.u32 s15, v3;
	v15 =	vld.idx.msk [tilespmem:v19+s1+$0x0], $0xffff;
	[tilespmem:s12+$0xC0] =	vst v12  }
.Ltmp1:
0xc4: {  	[tilespmem:s17+$0x10] =	vst v14;
	v13 =	vld.idx.msk [tilespmem:v13+s1+$0x0], $0xffff;
	(pc) =	sbr.rel @p0 .LBB2_4-.Ltmp1, $4  }
0xc5: {  	v16 =	vor.u32 s13, v3;
	v17 =	vld.idx.msk [tilespmem:v8+s1+$0x0], $0xffff;
	[tilespmem:s12+$0x50] =	vst v20  }
0xc6: {  	v19 =	vor.u32 s19, v3;
	[tilespmem:v9+s9+$0x0] =	vst.idx.msk $0xf, v21;
	v9 =	vor.u32 s11, v6;
	v12 =	vld.idx.msk [tilespmem:v23+s1+$0x0], $0xffff  }
0xc7: {  	v14 =	vor.u32 s16, v7;
	s16 =	smov.u32 s19;
	v8 =	vor.u32 s14, v7;
	s14 =	smov.u32 s20;
	[tilespmem:s17+$0xFFFFFF20] =	vst v18;
	v11 =	vld.idx.msk [tilespmem:v22+s1+$0x0], $0xffff  }
0xc8: {  	v20 =	vor.u32 s14, v3;
	v18 =	vld.idx.msk [tilespmem:v25+s1+$0x0], $0xffff;
	[tilespmem:s17+$0xFFFFFFA0] =	vst v24  }
0xc9: {  	_ =	sdelay $0x3  }
0xca: {  	[tilespmem:s17+$0xA0] =	vst v15;
	v46 =	vor.u32 s15, v4;
	v16 =	vld.idx.msk [tilespmem:v16+s1+$0x0], $0xffff  }
0xcb: {  	v22 =	vor.u32 s13, v4;
	[tilespmem:s17+$0x20] =	vst v17;
	v47 =	vld.idx.msk [tilespmem:v20+s1+$0x0], $0xffff  }
0xcc: {  	v21 =	vor.u32 s14, v4;
	v17 =	vld.idx.msk [tilespmem:v19+s1+$0x0], $0xffff  }
0xcd: {  	v48 =	vor.u32 s16, v4  }
0xce: {  	[tilespmem:s17+$0xFFFFFF30] =	vst v18  }
0xcf: {  	v15 =	vld.idx.msk [tilespmem:v46+s1+$0x0], $0xffff;
	[tilespmem:s17+$0xFFFFFFB0] =	vst v16  }
0xd0: {  	v49 =	vor.u32 s15, v5;
	[tilespmem:s17+$0xB0] =	vst v47;
	v52 =	vld.idx.msk [tilespmem:v22+s1+$0x0], $0xffff  }
0xd1: {  	v54 =	vor.u32 s13, v5;
	[tilespmem:s17+$0x30] =	vst v17;
	v19 =	vld.idx.msk [tilespmem:v21+s1+$0x0], $0xffff  }
0xd2: {  	v53 =	vor.u32 s14, v5;
	[tilespmem:s12+$0xD0] =	vst v13;
	v50 =	vld.idx.msk [tilespmem:v48+s1+$0x0], $0xffff  }
0xd3: {  	v51 =	vor.u32 s16, v5;
	[tilespmem:v14+s9+$0x0] =	vst.idx.msk $0xf, v12  }
0xd4: {  	v10 =	vld.idx.msk [tilespmem:v10+s1+$0x0], $0xffff;
	[tilespmem:s17+$0xFFFFFF40] =	vst v15  }
0xd5: {  	v15 =	vld.idx.msk [tilespmem:v49+s1+$0x0], $0xffff;
	[tilespmem:s17+$0xFFFFFFC0] =	vst v52  }
0xd6: {  	v55 =	vor.u32 s15, v6;
	[tilespmem:s17+$0xC0] =	vst v19;
	v13 =	vld.idx.msk [tilespmem:v54+s1+$0x0], $0xffff  }
0xd7: {  	v58 =	vor.u32 s13, v6;
	[tilespmem:s17+$0x40] =	vst v50;
	v19 =	vld.idx.msk [tilespmem:v53+s1+$0x0], $0xffff  }
0xd8: {  	v57 =	vor.u32 s14, v6;
	[tilespmem:s12+$0xFFFFFFD0] =	vst v11;
	v16 =	vld.idx.msk [tilespmem:v51+s1+$0x0], $0xffff  }
0xd9: {  	v56 =	vor.u32 s16, v6;
	[tilespmem:v8+s9+$0x0] =	vst.idx.msk $0xf, v10  }
0xda: {  	v59 =	vor.u32 s11, v7;
	v9 =	vld.idx.msk [tilespmem:v9+s1+$0x0], $0xffff;
	[tilespmem:s17+$0xFFFFFF50] =	vst v15  }
0xdb: {  	v60 =	vor.u32 s15, v7;
	v17 =	vld.idx.msk [tilespmem:v55+s1+$0x0], $0xffff;
	[tilespmem:s17+$0xFFFFFFD0] =	vst v13  }
0xdc: {  	v8 =	vor.u32 s13, v7;
	[tilespmem:s17+$0xD0] =	vst v19;
	v63 =	vld.idx.msk [tilespmem:v58+s1+$0x0], $0xffff  }
0xdd: {  	v62 =	vor.u32 s14, v7;
	[tilespmem:s17+$0x50] =	vst v16;
	v12 =	vld.idx.msk [tilespmem:v57+s1+$0x0], $0xffff  }
0xde: {  	v61 =	vor.u32 s16, v7;
	v16 =	vld.idx.msk [tilespmem:v56+s1+$0x0], $0xffff  }
0xdf: {  	[tilespmem:v59+s9+$0x0] =	vst.idx.msk $0xf, v9  }
0xe0: {  	[tilespmem:v60+s9+$0x0] =	vst.idx.msk $0xf, v17  }
0xe1: {  	s10 =	sadd.s32 $0x1, s10;
	[tilespmem:v8+s9+$0x0] =	vst.idx.msk $0xf, v63  }
0xe2: {  	p0 =	sne.s32 s10, s7;
	[tilespmem:v62+s9+$0x0] =	vst.idx.msk $0xf, v12  }
.Ltmp2:
0xe3: {  	[tilespmem:v61+s9+$0x0] =	vst.idx.msk $0xf, v16;
	(pc) =	sbr.rel @p0 .LBB2_1-.Ltmp2, $4  }
0xe4: {  	[hbm4b:s6+s1] =	stream.linear.scatter [tilespmem:s9], [sflag:$0x1], $0x8000, $0x38;
	[tilespmem:$0x10000] =	vst v63  }
0xe5: {  	_ =	swait.ge [sflag:s8], $0x8000  }
0xe6: {  	[sflag:s8] =	ssyncset.done $0x0  }
0xe7: {  	[sflag:s8] =	ssyncadd.s32 $0xFFFF8000  }
0xe8: {  	_ =	sfence.sel $0x180000  }
0xe9: {  	[bflag:$0x0] =	sbarrier.arrive $0xFFFF  }
0xea: {  	p0 =	sne.s32 s2, $0x0;
	_ =	strace $0x90000047  }
0xeb: {  	s0 =	sadd.s32 @!p0 $0x100000, s0;
	[bflag:$0x2] =	sbarrier.arrive $0xFFFF  }
0xec: {  	[sflag:s0] =	ssyncadd.tile.s32 @!p0 $0x1;
	_ =	shalt  }
.Lfunc_end2:
_tile_overlayer_lowered:
.L_overlay_start_2:
0xed: {  	(tag) =	ssettag $0x2  }
0xee: {  	s0 =	rddreg [dreg:$0x0];
	s2 =	stileid.u32  }
0xef: {  	s1 =	rddreg [dreg:$0x1];
	p0 =	sne.s32 s2, $0x0  }
0xf0: {  	s3 =	rddreg [dreg:$0x2];
	[bflag:$0x3] =	sbarrier.arrive $0xFFFF;
	s2 =	simm.s32 @!p0 $0x1C01  }
0xf1: {  	[timem:s3], [sflag:s2] =	dma.local @!p0 [hbm:s0], s1  }
0xf2: {  	s0 =	simm.s32 @!p0 $0x1  }
0xf3: {  	_ =	swait.ge @!p0 [sflag:s0], s1  }
0xf4: {  	s1 =	ssub.s32 @!p0 $0x0, s1;
	[sflag:s0] =	ssyncset.done @!p0 $0x0  }
0xf5: {  	[sflag:s0] =	ssyncadd.s32 @!p0 s1  }
0xf6: {  	[bflag:$0x3] =	sbarrier.arrive $0xFFFF  }
0xf7: {  	_ =	shalt  }

</sc_bundles>
